<compile_context>
chip_gen: v7x
topology: tpu7x:2x2x1
jax: 0.10.2.dev20260603
libtpu: 0.0.44.dev20260713+nightly
codegen_flags: <defaults>
</compile_context>

<pallas_src>
import functools

import jax
import jax.numpy as jnp
from jax import lax
from jax.experimental import pallas as pl
from jax.experimental.pallas import tpu as pltpu
from jax.experimental.pallas import tpu_sc as plsc

B, C, H, W = 2, 256, 320, 320
N = 512
NV = B * N
NWORK = 16
VPW = NV // NWORK
RPW = 2 * VPW
NROWS = NV * (C // 128)
NG = VPW // 16
GR = RPW // NG


def _sc_gather(fm_rows, pos_flat):
    mesh = plsc.VectorSubcoreMesh(
        core_axis_name="c", subcore_axis_name="s", num_cores=1)

    @functools.partial(
        pl.kernel,
        out_type=jax.ShapeDtypeStruct((NROWS, 128), jnp.float32),
        mesh=mesh,
        scratch_types=[
            pltpu.VMEM((128 + VPW,), jnp.int32),
            pltpu.VMEM((RPW,), jnp.int32),
            pltpu.VMEM((RPW, 128), jnp.float32),
            [pltpu.SemaphoreType.DMA] * NG,
            pltpu.SemaphoreType.DMA,
        ],
        compiler_params=pltpu.CompilerParams(
            needs_layout_passes=False,
            skip_device_barrier=True,
            disable_bounds_checks=True,
            disable_semaphore_checks=True,
        ),
    )
    def body(fm_hbm, pos_hbm, out_hbm, pos_v, idx_v, dat_v, gsems, osem):
        wid = lax.axis_index("s") + lax.axis_index("c")
        v0 = wid * VPW
        bq = lax.shift_right_logical(v0, 9)
        k0 = lax.shift_right_logical(v0 & 511, 7)
        o = v0 & 127
        base = pl.multiple_of((bq * 8 + k0 * 2) * 128 + o, VPW)
        pltpu.sync_copy(pos_hbm.at[pl.ds(base, 128 + VPW)], pos_v)

        lane = jax.lax.iota(jnp.int32, 16)
        gathers = []
        for vc in range(NG):
            v_loc = vc * 16 + lane
            r = pos_v[pl.ds(vc * 16, 16)]
            c = pos_v[pl.ds(128 + vc * 16, 16)]
            b = lax.shift_right_logical(v0 + vc * 16 + lane, 9)
            rho0 = ((b * H + r) * (W // 8) + lax.shift_right_logical(c, 3)) \
                * 16 + (c & 7)
            pos = v_loc * 2
            plsc.store_scatter(idx_v, [pos], rho0)
            plsc.store_scatter(idx_v, [pos + 1], rho0 + 8)
            if vc == 2:
                gathers.append(pltpu.async_copy(
                    fm_hbm.at[idx_v.at[pl.ds(0, 3 * GR)]],
                    dat_v.at[pl.ds(0, 3 * GR)], gsems[0]))
            elif vc == 3:
                gathers.append(pltpu.async_copy(
                    fm_hbm.at[idx_v.at[pl.ds(3 * GR, GR)]],
                    dat_v.at[pl.ds(3 * GR, GR)], gsems[1]))

        chunks = ((0, 3 * GR), (3 * GR, GR))
        outs = []
        for j, (st, ln) in enumerate(chunks):
            gathers[j].wait()
            outs.append(
                pltpu.async_copy(dat_v.at[pl.ds(st, ln)],
                                 out_hbm.at[pl.ds(wid * RPW + st, ln)],
                                 osem))
        for od in outs:
            od.wait()

    return body(fm_rows, pos_flat)


def kernel(feature_map, vertices_positions):
    fm_rows = (
        feature_map.transpose(0, 2, 3, 1)
        .reshape(B, H, W // 8, 8, C // 128, 128)
        .transpose(0, 1, 2, 4, 3, 5)
        .reshape(B * H * (W // 8) * (C // 128) * 8, 128)
    )
    pos_flat = (
        vertices_positions.astype(jnp.int32)
        .transpose(0, 2, 1)
        .reshape(B, 2, N // 128, 128)
        .transpose(0, 2, 1, 3)
        .reshape(B * 2 * N)
    )
    out = _sc_gather(fm_rows, pos_flat)
    return out.reshape(B, N, C)

# --- scband reference (transcript-rebuilt; emitter-appended) ---
"""Pipeline reference for scband-top-di-g-59356448031542 (READ-ONLY COPY).

The authoritative reference and input builder live on the scoring server;
editing this copy changes nothing except your own understanding.
"""

import jax, jax.numpy as jnp
import numpy as np


def setup_inputs(seed: int = 0) -> dict:
    key = jax.random.key(seed)
    k1, k2 = jax.random.split(key)
    feature_map = jax.random.normal(k1, (2, 256, 320, 320), dtype=jnp.float32)
    vertices_positions = jax.random.randint(k2, (2, 512, 2), 0, 320, dtype=jnp.int64)
    return {"feature_map": feature_map, "vertices_positions": vertices_positions}


def reference(feature_map, vertices_positions):
    # Faithful port of TopDiG.descriptor_extraction:
    # for each batch b: desc = feature_map[b][:, pos[:,0], pos[:,1]].transpose(0,1)
    # stacked over batch -> [B, N, C]
    def per_batch(fm, pos):
        # fm: [C, H, W], pos: [N, 2] (row, col)
        gathered = fm[:, pos[:, 0], pos[:, 1]]  # [C, N] gather
        return gathered.T  # [N, C]
    sel_desc = jax.vmap(per_batch)(feature_map, vertices_positions)
    return sel_desc

if __name__ == "__main__":
    import jax
    _d = setup_inputs()
    print(jax.jit(kernel)(*tuple(_d.values())))

</pallas_src>

<mosaic_0001>
#map = affine_map<(d0, d1) -> (0, 0)>
#map1 = affine_map<(d0, d1) -> (0)>
module attributes {stable_mosaic.version = 14 : i64} {
  func.func @body(%arg0: i32, %arg1: i32, %arg2: memref<409600x128xf32, #tpu.memory_space<hbm>>, %arg3: memref<2048xi32, #tpu.memory_space<hbm>>, %arg4: memref<2048x128xf32, #tpu.memory_space<hbm>>, %arg5: memref<192xi32, #tpu.memory_space<vmem>>, %arg6: memref<128xi32, #tpu.memory_space<vmem>>, %arg7: memref<128x128xf32, #tpu.memory_space<vmem>>, %arg8: memref<!tpu.dma_semaphore, #tpu.memory_space<semaphore_mem>>, %arg9: memref<!tpu.dma_semaphore, #tpu.memory_space<semaphore_mem>>, %arg10: memref<!tpu.dma_semaphore, #tpu.memory_space<semaphore_mem>>, %arg11: memref<!tpu.dma_semaphore, #tpu.memory_space<semaphore_mem>>, %arg12: memref<!tpu.dma_semaphore, #tpu.memory_space<semaphore_mem>>) attributes {dimension_semantics = [#tpu.dimension_semantics<core_parallel>, #tpu.dimension_semantics<subcore_parallel>], iteration_bounds = array<i64: 1, 16>, scalar_prefetch = 0 : i64, scratch_operands = 8 : i64, tpu.core_type = #tpu.core_type<sc_vector_subcore>, window_params = [{transform_indices = #map}, {transform_indices = #map1}, {transform_indices = #map}]} {
    %add3A = arith.addi %arg1, %arg0 : i32
    %mul3A = arith.constant 64 : i32
    %mul3A_0 = arith.muli %add3A, %mul3A : i32
    %shift_right_logical3A = arith.constant 9 : i32
    %shift_right_logical3A_1 = arith.shrui %mul3A_0, %shift_right_logical3A : i32
    %and3A = arith.constant 511 : i32
    %and3A_2 = arith.andi %mul3A_0, %and3A : i32
    %shift_right_logical3A_3 = arith.constant 7 : i32
    %shift_right_logical3A_4 = arith.shrui %and3A_2, %shift_right_logical3A_3 : i32
    %and3A_5 = arith.constant 127 : i32
    %and3A_6 = arith.andi %mul3A_0, %and3A_5 : i32
    %mul3A_7 = arith.constant 8 : i32
    %mul3A_8 = arith.muli %shift_right_logical3A_1, %mul3A_7 : i32
    %mul3A_9 = arith.constant 2 : i32
    %mul3A_10 = arith.muli %shift_right_logical3A_4, %mul3A_9 : i32
    %add3A_11 = arith.addi %mul3A_8, %mul3A_10 : i32
    %mul3A_12 = arith.constant 128 : i32
    %mul3A_13 = arith.muli %add3A_11, %mul3A_12 : i32
    %add3A_14 = arith.addi %mul3A_13, %and3A_6 : i32
    %multiple_of3A = tpu.assume_multiple %add3A_14, 64 : i32
    "tpu.region"() ({
      %run_scoped3A = tpu.sem_alloc : memref<!tpu.dma_semaphore, #tpu.memory_space<semaphore_mem>>
      %dma_start3A_256 = tpu.memref_slice %arg3[%multiple_of3A] : memref<2048xi32, #tpu.memory_space<hbm>> -> memref<192xi32, #tpu.memory_space<hbm>>
      %dma_start3A_257 = tpu.memref_slice %arg3[%multiple_of3A] : memref<2048xi32, #tpu.memory_space<hbm>> -> memref<192xi32, #tpu.memory_space<hbm>>
      tpu.enqueue_dma source(%dma_start3A_257 : memref<192xi32, #tpu.memory_space<hbm>>) target(%arg5 : memref<192xi32, #tpu.memory_space<vmem>>) target_semaphore(%run_scoped3A : memref<!tpu.dma_semaphore, #tpu.memory_space<semaphore_mem>>)
      %dma_wait3A_258 = tpu.memref_slice %arg3[%multiple_of3A] : memref<2048xi32, #tpu.memory_space<hbm>> -> memref<192xi32, #tpu.memory_space<hbm>>
      %dma_wait3A_259 = tpu.memref_slice %arg3[%multiple_of3A] : memref<2048xi32, #tpu.memory_space<hbm>> -> memref<192xi32, #tpu.memory_space<hbm>>
      tpu.wait_dma2 semaphore(%run_scoped3A : memref<!tpu.dma_semaphore, #tpu.memory_space<semaphore_mem>>) src(%dma_wait3A_259 : memref<192xi32, #tpu.memory_space<hbm>>) dst(%arg5 : memref<192xi32, #tpu.memory_space<vmem>>)
      tpu.yield
    }) : () -> ()
    %iota3A = tpu.iota {dimensions = array<i32: 0>} : vector<16xi32>
    %add3A_15 = arith.constant 0 : i32
    %add3A_16 = vector.broadcast %add3A_15 : i32 to vector<16xi32>
    %add3A_17 = arith.addi %add3A_16, %iota3A : vector<16xi32>
    %get3A = arith.constant 0 : index
    %get3A_18 = tpu.vector_load %arg5[%get3A] {strides = array<i32>} : memref<192xi32, #tpu.memory_space<vmem>>, vector<16xi32>,
    %get3A_19 = arith.constant 128 : index
    %get3A_20 = tpu.vector_load %arg5[%get3A_19] {strides = array<i32>} : memref<192xi32, #tpu.memory_space<vmem>>, vector<16xi32>,
    %add3A_21 = arith.constant 0 : i32
    %add3A_22 = arith.addi %mul3A_0, %add3A_21 : i32
    %add3A_23 = vector.broadcast %add3A_22 : i32 to vector<16xi32>
    %add3A_24 = arith.addi %add3A_23, %iota3A : vector<16xi32>
    %shift_right_logical3A_25 = arith.constant 9 : i32
    %shift_right_logical3A_26 = vector.broadcast %shift_right_logical3A_25 : i32 to vector<16xi32>
    %shift_right_logical3A_27 = arith.shrui %add3A_24, %shift_right_logical3A_26 : vector<16xi32>
    %mul3A_28 = arith.constant 320 : i32
    %mul3A_29 = vector.broadcast %mul3A_28 : i32 to vector<16xi32>
    %mul3A_30 = arith.muli %shift_right_logical3A_27, %mul3A_29 : vector<16xi32>
    %add3A_31 = arith.addi %mul3A_30, %get3A_18 : vector<16xi32>
    %mul3A_32 = arith.constant 40 : i32
    %mul3A_33 = vector.broadcast %mul3A_32 : i32 to vector<16xi32>
    %mul3A_34 = arith.muli %add3A_31, %mul3A_33 : vector<16xi32>
    %shift_right_logical3A_35 = arith.constant 3 : i32
    %shift_right_logical3A_36 = vector.broadcast %shift_right_logical3A_35 : i32 to vector<16xi32>
    %shift_right_logical3A_37 = arith.shrui %get3A_20, %shift_right_logical3A_36 : vector<16xi32>
    %add3A_38 = arith.addi %mul3A_34, %shift_right_logical3A_37 : vector<16xi32>
    %mul3A_39 = arith.constant 16 : i32
    %mul3A_40 = vector.broadcast %mul3A_39 : i32 to vector<16xi32>
    %mul3A_41 = arith.muli %add3A_38, %mul3A_40 : vector<16xi32>
    %and3A_42 = arith.constant 7 : i32
    %and3A_43 = vector.broadcast %and3A_42 : i32 to vector<16xi32>
    %and3A_44 = arith.andi %get3A_20, %and3A_43 : vector<16xi32>
    %add3A_45 = arith.addi %mul3A_41, %and3A_44 : vector<16xi32>
    %mul3A_46 = arith.constant 2 : i32
    %mul3A_47 = vector.broadcast %mul3A_46 : i32 to vector<16xi32>
    %mul3A_48 = arith.muli %add3A_17, %mul3A_47 : vector<16xi32>
    tpu.vector_store_idx %arg6[%mul3A_48], %add3A_45 : memref<128xi32, #tpu.memory_space<vmem>>[vector<16xi32>], vector<16xi32>,
    %add3A_49 = arith.constant 1 : i32
    %add3A_50 = vector.broadcast %add3A_49 : i32 to vector<16xi32>
    %add3A_51 = arith.addi %mul3A_48, %add3A_50 : vector<16xi32>
    %add3A_52 = arith.constant 8 : i32
    %add3A_53 = vector.broadcast %add3A_52 : i32 to vector<16xi32>
    %add3A_54 = arith.addi %add3A_45, %add3A_53 : vector<16xi32>
    tpu.vector_store_idx %arg6[%add3A_51], %add3A_54 : memref<128xi32, #tpu.memory_space<vmem>>[vector<16xi32>], vector<16xi32>,
    %add3A_55 = arith.constant 16 : i32
    %add3A_56 = vector.broadcast %add3A_55 : i32 to vector<16xi32>
    %add3A_57 = arith.addi %add3A_56, %iota3A : vector<16xi32>
    %get3A_58 = arith.constant 16 : index
    %get3A_59 = tpu.vector_load %arg5[%get3A_58] {strides = array<i32>} : memref<192xi32, #tpu.memory_space<vmem>>, vector<16xi32>,
    %get3A_60 = arith.constant 144 : index
    %get3A_61 = tpu.vector_load %arg5[%get3A_60] {strides = array<i32>} : memref<192xi32, #tpu.memory_space<vmem>>, vector<16xi32>,
    %add3A_62 = arith.constant 16 : i32
    %add3A_63 = arith.addi %mul3A_0, %add3A_62 : i32
    %add3A_64 = vector.broadcast %add3A_63 : i32 to vector<16xi32>
    %add3A_65 = arith.addi %add3A_64, %iota3A : vector<16xi32>
    %shift_right_logical3A_66 = arith.constant 9 : i32
    %shift_right_logical3A_67 = vector.broadcast %shift_right_logical3A_66 : i32 to vector<16xi32>
    %shift_right_logical3A_68 = arith.shrui %add3A_65, %shift_right_logical3A_67 : vector<16xi32>
    %mul3A_69 = arith.constant 320 : i32
    %mul3A_70 = vector.broadcast %mul3A_69 : i32 to vector<16xi32>
    %mul3A_71 = arith.muli %shift_right_logical3A_68, %mul3A_70 : vector<16xi32>
    %add3A_72 = arith.addi %mul3A_71, %get3A_59 : vector<16xi32>
    %mul3A_73 = arith.constant 40 : i32
    %mul3A_74 = vector.broadcast %mul3A_73 : i32 to vector<16xi32>
    %mul3A_75 = arith.muli %add3A_72, %mul3A_74 : vector<16xi32>
    %shift_right_logical3A_76 = arith.constant 3 : i32
    %shift_right_logical3A_77 = vector.broadcast %shift_right_logical3A_76 : i32 to vector<16xi32>
    %shift_right_logical3A_78 = arith.shrui %get3A_61, %shift_right_logical3A_77 : vector<16xi32>
    %add3A_79 = arith.addi %mul3A_75, %shift_right_logical3A_78 : vector<16xi32>
    %mul3A_80 = arith.constant 16 : i32
    %mul3A_81 = vector.broadcast %mul3A_80 : i32 to vector<16xi32>
    %mul3A_82 = arith.muli %add3A_79, %mul3A_81 : vector<16xi32>
    %and3A_83 = arith.constant 7 : i32
    %and3A_84 = vector.broadcast %and3A_83 : i32 to vector<16xi32>
    %and3A_85 = arith.andi %get3A_61, %and3A_84 : vector<16xi32>
    %add3A_86 = arith.addi %mul3A_82, %and3A_85 : vector<16xi32>
    %mul3A_87 = arith.constant 2 : i32
    %mul3A_88 = vector.broadcast %mul3A_87 : i32 to vector<16xi32>
    %mul3A_89 = arith.muli %add3A_57, %mul3A_88 : vector<16xi32>
    tpu.vector_store_idx %arg6[%mul3A_89], %add3A_86 : memref<128xi32, #tpu.memory_space<vmem>>[vector<16xi32>], vector<16xi32>,
    %add3A_90 = arith.constant 1 : i32
    %add3A_91 = vector.broadcast %add3A_90 : i32 to vector<16xi32>
    %add3A_92 = arith.addi %mul3A_89, %add3A_91 : vector<16xi32>
    %add3A_93 = arith.constant 8 : i32
    %add3A_94 = vector.broadcast %add3A_93 : i32 to vector<16xi32>
    %add3A_95 = arith.addi %add3A_86, %add3A_94 : vector<16xi32>
    tpu.vector_store_idx %arg6[%add3A_92], %add3A_95 : memref<128xi32, #tpu.memory_space<vmem>>[vector<16xi32>], vector<16xi32>,
    %add3A_96 = arith.constant 32 : i32
    %add3A_97 = vector.broadcast %add3A_96 : i32 to vector<16xi32>
    %add3A_98 = arith.addi %add3A_97, %iota3A : vector<16xi32>
    %get3A_99 = arith.constant 32 : index
    %get3A_100 = tpu.vector_load %arg5[%get3A_99] {strides = array<i32>} : memref<192xi32, #tpu.memory_space<vmem>>, vector<16xi32>,
    %get3A_101 = arith.constant 160 : index
    %get3A_102 = tpu.vector_load %arg5[%get3A_101] {strides = array<i32>} : memref<192xi32, #tpu.memory_space<vmem>>, vector<16xi32>,
    %add3A_103 = arith.constant 32 : i32
    %add3A_104 = arith.addi %mul3A_0, %add3A_103 : i32
    %add3A_105 = vector.broadcast %add3A_104 : i32 to vector<16xi32>
    %add3A_106 = arith.addi %add3A_105, %iota3A : vector<16xi32>
    %shift_right_logical3A_107 = arith.constant 9 : i32
    %shift_right_logical3A_108 = vector.broadcast %shift_right_logical3A_107 : i32 to vector<16xi32>
    %shift_right_logical3A_109 = arith.shrui %add3A_106, %shift_right_logical3A_108 : vector<16xi32>
    %mul3A_110 = arith.constant 320 : i32
    %mul3A_111 = vector.broadcast %mul3A_110 : i32 to vector<16xi32>
    %mul3A_112 = arith.muli %shift_right_logical3A_109, %mul3A_111 : vector<16xi32>
    %add3A_113 = arith.addi %mul3A_112, %get3A_100 : vector<16xi32>
    %mul3A_114 = arith.constant 40 : i32
    %mul3A_115 = vector.broadcast %mul3A_114 : i32 to vector<16xi32>
    %mul3A_116 = arith.muli %add3A_113, %mul3A_115 : vector<16xi32>
    %shift_right_logical3A_117 = arith.constant 3 : i32
    %shift_right_logical3A_118 = vector.broadcast %shift_right_logical3A_117 : i32 to vector<16xi32>
    %shift_right_logical3A_119 = arith.shrui %get3A_102, %shift_right_logical3A_118 : vector<16xi32>
    %add3A_120 = arith.addi %mul3A_116, %shift_right_logical3A_119 : vector<16xi32>
    %mul3A_121 = arith.constant 16 : i32
    %mul3A_122 = vector.broadcast %mul3A_121 : i32 to vector<16xi32>
    %mul3A_123 = arith.muli %add3A_120, %mul3A_122 : vector<16xi32>
    %and3A_124 = arith.constant 7 : i32
    %and3A_125 = vector.broadcast %and3A_124 : i32 to vector<16xi32>
    %and3A_126 = arith.andi %get3A_102, %and3A_125 : vector<16xi32>
    %add3A_127 = arith.addi %mul3A_123, %and3A_126 : vector<16xi32>
    %mul3A_128 = arith.constant 2 : i32
    %mul3A_129 = vector.broadcast %mul3A_128 : i32 to vector<16xi32>
    %mul3A_130 = arith.muli %add3A_98, %mul3A_129 : vector<16xi32>
    tpu.vector_store_idx %arg6[%mul3A_130], %add3A_127 : memref<128xi32, #tpu.memory_space<vmem>>[vector<16xi32>], vector<16xi32>,
    %add3A_131 = arith.constant 1 : i32
    %add3A_132 = vector.broadcast %add3A_131 : i32 to vector<16xi32>
    %add3A_133 = arith.addi %mul3A_130, %add3A_132 : vector<16xi32>
    %add3A_134 = arith.constant 8 : i32
    %add3A_135 = vector.broadcast %add3A_134 : i32 to vector<16xi32>
    %add3A_136 = arith.addi %add3A_127, %add3A_135 : vector<16xi32>
    tpu.vector_store_idx %arg6[%add3A_133], %add3A_136 : memref<128xi32, #tpu.memory_space<vmem>>[vector<16xi32>], vector<16xi32>,
    %dma_start3A = arith.constant 0 : i32
    %dma_start3A_137 = arith.constant 0 : i32
    %dma_start3A_138 = tpu.memref_slice %arg7[%dma_start3A, %dma_start3A_137] : memref<128x128xf32, #tpu.memory_space<vmem>> -> memref<96x128xf32, #tpu.memory_space<vmem>>
    %dma_start3A_139 = arith.constant 0 : i32
    %dma_start3A_140 = tpu.memref_slice %arg6[%dma_start3A_139] : memref<128xi32, #tpu.memory_space<vmem>> -> memref<96xi32, #tpu.memory_space<vmem>>
    %dma_start3A_141 = arith.constant 0 : i32
    %dma_start3A_142 = arith.constant 0 : i32
    %dma_start3A_143 = tpu.memref_slice %arg2[%dma_start3A_141, %dma_start3A_142] : memref<409600x128xf32, #tpu.memory_space<hbm>> -> memref<409600x128xf32, #tpu.memory_space<hbm>>
    tpu.enqueue_indirect_dma source(%dma_start3A_143 : memref<409600x128xf32, #tpu.memory_space<hbm>>) target(%dma_start3A_138 : memref<96x128xf32, #tpu.memory_space<vmem>>) offsets(%dma_start3A_140 : memref<96xi32, #tpu.memory_space<vmem>>) semaphore(%arg8 : memref<!tpu.dma_semaphore, #tpu.memory_space<semaphore_mem>>)
    %add3A_144 = arith.constant 48 : i32
    %add3A_145 = vector.broadcast %add3A_144 : i32 to vector<16xi32>
    %add3A_146 = arith.addi %add3A_145, %iota3A : vector<16xi32>
    %get3A_147 = arith.constant 48 : index
    %get3A_148 = tpu.vector_load %arg5[%get3A_147] {strides = array<i32>} : memref<192xi32, #tpu.memory_space<vmem>>, vector<16xi32>,
    %get3A_149 = arith.constant 176 : index
    %get3A_150 = tpu.vector_load %arg5[%get3A_149] {strides = array<i32>} : memref<192xi32, #tpu.memory_space<vmem>>, vector<16xi32>,
    %add3A_151 = arith.constant 48 : i32
    %add3A_152 = arith.addi %mul3A_0, %add3A_151 : i32
    %add3A_153 = vector.broadcast %add3A_152 : i32 to vector<16xi32>
    %add3A_154 = arith.addi %add3A_153, %iota3A : vector<16xi32>
    %shift_right_logical3A_155 = arith.constant 9 : i32
    %shift_right_logical3A_156 = vector.broadcast %shift_right_logical3A_155 : i32 to vector<16xi32>
    %shift_right_logical3A_157 = arith.shrui %add3A_154, %shift_right_logical3A_156 : vector<16xi32>
    %mul3A_158 = arith.constant 320 : i32
    %mul3A_159 = vector.broadcast %mul3A_158 : i32 to vector<16xi32>
    %mul3A_160 = arith.muli %shift_right_logical3A_157, %mul3A_159 : vector<16xi32>
    %add3A_161 = arith.addi %mul3A_160, %get3A_148 : vector<16xi32>
    %mul3A_162 = arith.constant 40 : i32
    %mul3A_163 = vector.broadcast %mul3A_162 : i32 to vector<16xi32>
    %mul3A_164 = arith.muli %add3A_161, %mul3A_163 : vector<16xi32>
    %shift_right_logical3A_165 = arith.constant 3 : i32
    %shift_right_logical3A_166 = vector.broadcast %shift_right_logical3A_165 : i32 to vector<16xi32>
    %shift_right_logical3A_167 = arith.shrui %get3A_150, %shift_right_logical3A_166 : vector<16xi32>
    %add3A_168 = arith.addi %mul3A_164, %shift_right_logical3A_167 : vector<16xi32>
    %mul3A_169 = arith.constant 16 : i32
    %mul3A_170 = vector.broadcast %mul3A_169 : i32 to vector<16xi32>
    %mul3A_171 = arith.muli %add3A_168, %mul3A_170 : vector<16xi32>
    %and3A_172 = arith.constant 7 : i32
    %and3A_173 = vector.broadcast %and3A_172 : i32 to vector<16xi32>
    %and3A_174 = arith.andi %get3A_150, %and3A_173 : vector<16xi32>
    %add3A_175 = arith.addi %mul3A_171, %and3A_174 : vector<16xi32>
    %mul3A_176 = arith.constant 2 : i32
    %mul3A_177 = vector.broadcast %mul3A_176 : i32 to vector<16xi32>
    %mul3A_178 = arith.muli %add3A_146, %mul3A_177 : vector<16xi32>
    tpu.vector_store_idx %arg6[%mul3A_178], %add3A_175 : memref<128xi32, #tpu.memory_space<vmem>>[vector<16xi32>], vector<16xi32>,
    %add3A_179 = arith.constant 1 : i32
    %add3A_180 = vector.broadcast %add3A_179 : i32 to vector<16xi32>
    %add3A_181 = arith.addi %mul3A_178, %add3A_180 : vector<16xi32>
    %add3A_182 = arith.constant 8 : i32
    %add3A_183 = vector.broadcast %add3A_182 : i32 to vector<16xi32>
    %add3A_184 = arith.addi %add3A_175, %add3A_183 : vector<16xi32>
    tpu.vector_store_idx %arg6[%add3A_181], %add3A_184 : memref<128xi32, #tpu.memory_space<vmem>>[vector<16xi32>], vector<16xi32>,
    %dma_start3A_185 = arith.constant 96 : i32
    %dma_start3A_186 = arith.constant 0 : i32
    %dma_start3A_187 = tpu.memref_slice %arg7[%dma_start3A_185, %dma_start3A_186] : memref<128x128xf32, #tpu.memory_space<vmem>> -> memref<32x128xf32, #tpu.memory_space<vmem>>
    %dma_start3A_188 = arith.constant 96 : i32
    %dma_start3A_189 = tpu.memref_slice %arg6[%dma_start3A_188] : memref<128xi32, #tpu.memory_space<vmem>> -> memref<32xi32, #tpu.memory_space<vmem>>
    %dma_start3A_190 = arith.constant 0 : i32
    %dma_start3A_191 = arith.constant 0 : i32
    %dma_start3A_192 = tpu.memref_slice %arg2[%dma_start3A_190, %dma_start3A_191] : memref<409600x128xf32, #tpu.memory_space<hbm>> -> memref<409600x128xf32, #tpu.memory_space<hbm>>
    tpu.enqueue_indirect_dma source(%dma_start3A_192 : memref<409600x128xf32, #tpu.memory_space<hbm>>) target(%dma_start3A_187 : memref<32x128xf32, #tpu.memory_space<vmem>>) offsets(%dma_start3A_189 : memref<32xi32, #tpu.memory_space<vmem>>) semaphore(%arg9 : memref<!tpu.dma_semaphore, #tpu.memory_space<semaphore_mem>>)
    %dma_wait3A = arith.constant 0 : i32
    %dma_wait3A_193 = arith.constant 0 : i32
    %dma_wait3A_194 = tpu.memref_slice %arg7[%dma_wait3A, %dma_wait3A_193] : memref<128x128xf32, #tpu.memory_space<vmem>> -> memref<96x128xf32, #tpu.memory_space<vmem>>
    %dma_wait3A_195 = arith.constant 0 : i32
    %dma_wait3A_196 = tpu.memref_slice %arg6[%dma_wait3A_195] : memref<128xi32, #tpu.memory_space<vmem>> -> memref<96xi32, #tpu.memory_space<vmem>>
    %dma_wait3A_197 = arith.constant 0 : i32
    %dma_wait3A_198 = arith.constant 0 : i32
    %dma_wait3A_199 = tpu.memref_slice %arg2[%dma_wait3A_197, %dma_wait3A_198] : memref<409600x128xf32, #tpu.memory_space<hbm>> -> memref<409600x128xf32, #tpu.memory_space<hbm>>
    tpu.wait_indirect_dma semaphore(%arg8 : memref<!tpu.dma_semaphore, #tpu.memory_space<semaphore_mem>>) src(%dma_wait3A_199 : memref<409600x128xf32, #tpu.memory_space<hbm>>) dst(%dma_wait3A_194 : memref<96x128xf32, #tpu.memory_space<vmem>>)
    %mul3A_200 = arith.constant 128 : i32
    %mul3A_201 = arith.muli %add3A, %mul3A_200 : i32
    %add3A_202 = arith.constant 0 : i32
    %add3A_203 = arith.addi %mul3A_201, %add3A_202 : i32
    %dma_start3A_204 = arith.constant 0 : i32
    %dma_start3A_205 = arith.constant 0 : i32
    %dma_start3A_206 = tpu.memref_slice %arg7[%dma_start3A_204, %dma_start3A_205] : memref<128x128xf32, #tpu.memory_space<vmem>> -> memref<96x128xf32, #tpu.memory_space<vmem>>
    %dma_start3A_207 = arith.constant 0 : i32
    %dma_start3A_208 = tpu.memref_slice %arg4[%add3A_203, %dma_start3A_207] : memref<2048x128xf32, #tpu.memory_space<hbm>> -> memref<96x128xf32, #tpu.memory_space<hbm>>
    %dma_start3A_209 = arith.constant 0 : i32
    %dma_start3A_210 = tpu.memref_slice %arg4[%add3A_203, %dma_start3A_209] : memref<2048x128xf32, #tpu.memory_space<hbm>> -> memref<96x128xf32, #tpu.memory_space<hbm>>
    %dma_start3A_211 = arith.constant 0 : i32
    %dma_start3A_212 = arith.constant 0 : i32
    %dma_start3A_213 = tpu.memref_slice %arg7[%dma_start3A_211, %dma_start3A_212] : memref<128x128xf32, #tpu.memory_space<vmem>> -> memref<96x128xf32, #tpu.memory_space<vmem>>
    tpu.enqueue_dma source(%dma_start3A_213 : memref<96x128xf32, #tpu.memory_space<vmem>>) target(%dma_start3A_210 : memref<96x128xf32, #tpu.memory_space<hbm>>) target_semaphore(%arg12 : memref<!tpu.dma_semaphore, #tpu.memory_space<semaphore_mem>>)
    %dma_wait3A_214 = arith.constant 96 : i32
    %dma_wait3A_215 = arith.constant 0 : i32
    %dma_wait3A_216 = tpu.memref_slice %arg7[%dma_wait3A_214, %dma_wait3A_215] : memref<128x128xf32, #tpu.memory_space<vmem>> -> memref<32x128xf32, #tpu.memory_space<vmem>>
    %dma_wait3A_217 = arith.constant 96 : i32
    %dma_wait3A_218 = tpu.memref_slice %arg6[%dma_wait3A_217] : memref<128xi32, #tpu.memory_space<vmem>> -> memref<32xi32, #tpu.memory_space<vmem>>
    %dma_wait3A_219 = arith.constant 0 : i32
    %dma_wait3A_220 = arith.constant 0 : i32
    %dma_wait3A_221 = tpu.memref_slice %arg2[%dma_wait3A_219, %dma_wait3A_220] : memref<409600x128xf32, #tpu.memory_space<hbm>> -> memref<409600x128xf32, #tpu.memory_space<hbm>>
    tpu.wait_indirect_dma semaphore(%arg9 : memref<!tpu.dma_semaphore, #tpu.memory_space<semaphore_mem>>) src(%dma_wait3A_221 : memref<409600x128xf32, #tpu.memory_space<hbm>>) dst(%dma_wait3A_216 : memref<32x128xf32, #tpu.memory_space<vmem>>)
    %mul3A_222 = arith.constant 128 : i32
    %mul3A_223 = arith.muli %add3A, %mul3A_222 : i32
    %add3A_224 = arith.constant 96 : i32
    %add3A_225 = arith.addi %mul3A_223, %add3A_224 : i32
    %dma_start3A_226 = arith.constant 96 : i32
    %dma_start3A_227 = arith.constant 0 : i32
    %dma_start3A_228 = tpu.memref_slice %arg7[%dma_start3A_226, %dma_start3A_227] : memref<128x128xf32, #tpu.memory_space<vmem>> -> memref<32x128xf32, #tpu.memory_space<vmem>>
    %dma_start3A_229 = arith.constant 0 : i32
    %dma_start3A_230 = tpu.memref_slice %arg4[%add3A_225, %dma_start3A_229] : memref<2048x128xf32, #tpu.memory_space<hbm>> -> memref<32x128xf32, #tpu.memory_space<hbm>>
    %dma_start3A_231 = arith.constant 0 : i32
    %dma_start3A_232 = tpu.memref_slice %arg4[%add3A_225, %dma_start3A_231] : memref<2048x128xf32, #tpu.memory_space<hbm>> -> memref<32x128xf32, #tpu.memory_space<hbm>>
    %dma_start3A_233 = arith.constant 96 : i32
    %dma_start3A_234 = arith.constant 0 : i32
    %dma_start3A_235 = tpu.memref_slice %arg7[%dma_start3A_233, %dma_start3A_234] : memref<128x128xf32, #tpu.memory_space<vmem>> -> memref<32x128xf32, #tpu.memory_space<vmem>>
    tpu.enqueue_dma source(%dma_start3A_235 : memref<32x128xf32, #tpu.memory_space<vmem>>) target(%dma_start3A_232 : memref<32x128xf32, #tpu.memory_space<hbm>>) target_semaphore(%arg12 : memref<!tpu.dma_semaphore, #tpu.memory_space<semaphore_mem>>)
    %dma_wait3A_236 = arith.constant 0 : i32
    %dma_wait3A_237 = arith.constant 0 : i32
    %dma_wait3A_238 = tpu.memref_slice %arg7[%dma_wait3A_236, %dma_wait3A_237] : memref<128x128xf32, #tpu.memory_space<vmem>> -> memref<96x128xf32, #tpu.memory_space<vmem>>
    %dma_wait3A_239 = arith.constant 0 : i32
    %dma_wait3A_240 = tpu.memref_slice %arg4[%add3A_203, %dma_wait3A_239] : memref<2048x128xf32, #tpu.memory_space<hbm>> -> memref<96x128xf32, #tpu.memory_space<hbm>>
    %dma_wait3A_241 = arith.constant 0 : i32
    %dma_wait3A_242 = tpu.memref_slice %arg4[%add3A_203, %dma_wait3A_241] : memref<2048x128xf32, #tpu.memory_space<hbm>> -> memref<96x128xf32, #tpu.memory_space<hbm>>
    %dma_wait3A_243 = arith.constant 0 : i32
    %dma_wait3A_244 = arith.constant 0 : i32
    %dma_wait3A_245 = tpu.memref_slice %arg7[%dma_wait3A_243, %dma_wait3A_244] : memref<128x128xf32, #tpu.memory_space<vmem>> -> memref<96x128xf32, #tpu.memory_space<vmem>>
    tpu.wait_dma2 semaphore(%arg12 : memref<!tpu.dma_semaphore, #tpu.memory_space<semaphore_mem>>) src(%dma_wait3A_245 : memref<96x128xf32, #tpu.memory_space<vmem>>) dst(%dma_wait3A_242 : memref<96x128xf32, #tpu.memory_space<hbm>>)
    %dma_wait3A_246 = arith.constant 96 : i32
    %dma_wait3A_247 = arith.constant 0 : i32
    %dma_wait3A_248 = tpu.memref_slice %arg7[%dma_wait3A_246, %dma_wait3A_247] : memref<128x128xf32, #tpu.memory_space<vmem>> -> memref<32x128xf32, #tpu.memory_space<vmem>>
    %dma_wait3A_249 = arith.constant 0 : i32
    %dma_wait3A_250 = tpu.memref_slice %arg4[%add3A_225, %dma_wait3A_249] : memref<2048x128xf32, #tpu.memory_space<hbm>> -> memref<32x128xf32, #tpu.memory_space<hbm>>
    %dma_wait3A_251 = arith.constant 0 : i32
    %dma_wait3A_252 = tpu.memref_slice %arg4[%add3A_225, %dma_wait3A_251] : memref<2048x128xf32, #tpu.memory_space<hbm>> -> memref<32x128xf32, #tpu.memory_space<hbm>>
    %dma_wait3A_253 = arith.constant 96 : i32
    %dma_wait3A_254 = arith.constant 0 : i32
    %dma_wait3A_255 = tpu.memref_slice %arg7[%dma_wait3A_253, %dma_wait3A_254] : memref<128x128xf32, #tpu.memory_space<vmem>> -> memref<32x128xf32, #tpu.memory_space<vmem>>
    tpu.wait_dma2 semaphore(%arg12 : memref<!tpu.dma_semaphore, #tpu.memory_space<semaphore_mem>>) src(%dma_wait3A_255 : memref<32x128xf32, #tpu.memory_space<vmem>>) dst(%dma_wait3A_252 : memref<32x128xf32, #tpu.memory_space<hbm>>)
    return
  }
}

</mosaic_0001>

<sc_bundles>
// kernel: kernel.3.cloned.1.call-start
scs
__scs_entry_jumppad:
0x0: {  	(pc) =	sbr.rel $0x88, $3  }
0x1: {  	(tag) =	ssettag $0x0;
	lr =	simm.s32 $0x1  }
0x2: {  	[smem:$0x3F9F] =	sst lr;
	_ =	strace $0xD0000000  }
0x3: {  	_ = 	snop  }
0x4: {  	_ = 	snop  }
0x5: {  	_ = 	snop  }
0x6: {  	_ = 	snop  }
0x7: {  	_ = 	snop  }
__scs_overlays_trampoline_lowered:
0x8: {  	[smem:$0x3FAE] =	sst s0  }
0x9: {  	[smem:$0x3FAF] =	sst s1  }
0xa: {  	[smem:$0x3FB0] =	sst s2  }
0xb: {  	[smem:$0x3FB1] =	sst s3  }
0xc: {  	[smem:$0x3FB2] =	sst s4  }
0xd: {  	[smem:$0x3FB3] =	sst s5  }
0xe: {  	[smem:$0x3FB4] =	sst s6  }
0xf: {  	[smem:$0x3FB5] =	sst s7  }
0x10: {  	[smem:$0x3FB6] =	sst s8  }
0x11: {  	[smem:$0x3FB7] =	sst s9;
	s0 =	simm.s32 @!p0 $0x0  }
0x12: {  	s1 =	sld [smem:$0x3F9D];
	s0 =	simm.s32 @p0 $0x1  }
0x13: {  	[smem:$0x3FB8] =	sst s0;
	s0 =	simm.s32 @!p1 $0x0  }
0x14: {  	s2 =	sld [smem:$0x3F9C];
	s0 =	simm.s32 @p1 $0x1  }
0x15: {  	[smem:$0x3FB9] =	sst s0;
	s0 =	simm.s32 @!p2 $0x0  }
0x16: {  	s3 =	sld [smem:$0x3FDB];
	s0 =	simm.s32 @p2 $0x1  }
0x17: {  	s4 =	simm.s32 $0x1BF5;
	[smem:$0x3FBB] =	sst s0  }
0x18: {  	s0 =	sld [smem:$0x3F9E];
	_ =	swait.ge [sflag:s4], $0x0  }
0x19: {  	s7 =	sld [smem:$0x3F9F]  }
0x1a: {  	s8 =	sadd.s32 $0xFFFFE003, lr  }
0x1b: {  	s9 =	sadd.s32 $0xFFFFFEF7, lr;
	s5 =	simm.s32 $0xFFFFFFFF;
	p2 =	slt.u32 s8, $0xFFFFF086  }
0x1c: {  	p1 =	slt.u32 s9, $0xF7A;
	s5 =	simm.s32 @!p2 $0x0  }
0x1d: {  	s5 =	simm.s32 @p1 $0x1;
	p0 =	seq.s32 s7, s2  }
0x1e: {  	s7 =	smul.u32 @!p0 $0xF7A, s2;
	p2 =	seq.s32 @!p0 s5, $0x0  }
0x1f: {  	s9 =	smul.u32 $0xF7A, s1;
	s8 =	simm.s32 @!p0 $0x1BF5;
	p2 =	por !p2, p0  }
0x20: {  	[sflag:s8] =	ssyncset.s32 @!p0 $0xFFFFF086;
	s6 =	sadd.s32 @!p0 s3, s7;
	s7 =	simm.s32 @!p0 $0x108  }
0x21: {  	s3 =	sadd.s32 s3, s9;
	s6 =	sadd.s32 @!p0 $0x88, s6;
	s7 =	simm.s32 @p2 $0x1082  }
0x22: {  	[simem:s7], [sflag:s8] =	dma.local @!p0 [hbm:s6], $0xF7A  }
0x23: {  	s9 =	sor.u32 $0xD0000000, s2;
	s6 =	simm.s32 $0x108;
	_ =	swait.ge @!p0 [sflag:s8], $0x0  }
0x24: {  	s3 =	sadd.s32 $0x88, s3;
	s6 =	simm.s32 @!p1 $0x1082;
	[sflag:s4] =	ssyncset.s32 $0xFFFFF086  }
0x25: {  	[simem:s6], [sflag:s4] =	dma.local [hbm:s3], $0xF7A  }
0x26: {  	[smem:$0x3F9F] =	sst s1;
	(tag) =	ssettag s2;
	_ =	strace s9  }
0x27: {  	s1 =	sld [smem:$0x3FAF]  }
0x28: {  	s2 =	sld [smem:$0x3FB0]  }
0x29: {  	s4 =	sld [smem:$0x3FB2]  }
0x2a: {  	p0 =	seq.s32 s5, $0x0;
	s5 =	sld [smem:$0x3FB3]  }
0x2b: {  	s6 =	sld [smem:$0x3FB4]  }
0x2c: {  	s7 =	sld [smem:$0x3FB5]  }
0x2d: {  	s3 =	simm.s32 $0x108;
	s8 =	sld [smem:$0x3FB6]  }
0x2e: {  	s3 =	simm.s32 @!p0 $0x1082;
	s9 =	sld [smem:$0x3FB7]  }
0x2f: {  	lr =	sadd.s32 s0, s3;
	s0 =	sld [smem:$0x3FAE]  }
0x30: {  	s3 =	sld [smem:$0x3FB1]  }
0x31: {  	[smem:$0x3FBA] =	sst s10  }
0x32: {  	s10 =	sld [smem:$0x3FB8];
	_ =	sdelay $0x3  }
0x33: {  	p0 =	seq.s32 s10, $0x1;
	s10 =	sld [smem:$0x3FBA];
	_ =	sdelay $0x3  }
0x34: {  	[smem:$0x3FBA] =	sst s10  }
0x35: {  	s10 =	sld [smem:$0x3FB9];
	_ =	sdelay $0x3  }
0x36: {  	p1 =	seq.s32 s10, $0x1;
	s10 =	sld [smem:$0x3FBA];
	_ =	sdelay $0x3  }
0x37: {  	[smem:$0x3FBA] =	sst s10  }
0x38: {  	s10 =	sld [smem:$0x3FBB]  }
0x39: {  	_ = 	snop;
	(pc) =	sbr.ind lr, $3  }
0x3a: {  	_ = 	snop  }
0x3b: {  	_ = 	snop  }
0x3c: {  	p2 =	seq.s32 s10, $0x1;
	s10 =	sld [smem:$0x3FBA]  }
0x3d: {  	_ =	shalt  }
0x3e: {  	_ =	shalt  }
0x3f: {  	_ =	shalt  }
0x40: {  	_ =	shalt  }
0x41: {  	_ =	shalt  }
0x42: {  	_ =	shalt  }
0x43: {  	_ =	shalt  }
0x44: {  	_ =	shalt  }
0x45: {  	_ =	shalt  }
0x46: {  	_ =	shalt  }
0x47: {  	_ =	shalt  }
0x48: {  	_ =	shalt  }
0x49: {  	_ =	shalt  }
0x4a: {  	_ =	shalt  }
0x4b: {  	_ =	shalt  }
0x4c: {  	_ =	shalt  }
0x4d: {  	_ =	shalt  }
0x4e: {  	_ =	shalt  }
0x4f: {  	_ =	shalt  }
0x50: {  	_ =	shalt  }
0x51: {  	_ =	shalt  }
0x52: {  	_ =	shalt  }
0x53: {  	_ =	shalt  }
0x54: {  	_ =	shalt  }
0x55: {  	_ =	shalt  }
0x56: {  	_ =	shalt  }
0x57: {  	_ =	shalt  }
0x58: {  	_ =	shalt  }
0x59: {  	_ =	shalt  }
0x5a: {  	_ =	shalt  }
0x5b: {  	_ =	shalt  }
0x5c: {  	_ =	shalt  }
0x5d: {  	_ =	shalt  }
0x5e: {  	_ =	shalt  }
0x5f: {  	_ =	shalt  }
0x60: {  	_ =	shalt  }
0x61: {  	_ =	shalt  }
0x62: {  	_ =	shalt  }
0x63: {  	_ =	shalt  }
0x64: {  	_ =	shalt  }
0x65: {  	_ =	shalt  }
0x66: {  	_ =	shalt  }
0x67: {  	_ =	shalt  }
0x68: {  	_ =	shalt  }
0x69: {  	_ =	shalt  }
0x6a: {  	_ =	shalt  }
0x6b: {  	_ =	shalt  }
0x6c: {  	_ =	shalt  }
0x6d: {  	_ =	shalt  }
0x6e: {  	_ =	shalt  }
0x6f: {  	_ =	shalt  }
0x70: {  	_ =	shalt  }
0x71: {  	_ =	shalt  }
0x72: {  	_ =	shalt  }
0x73: {  	_ =	shalt  }
0x74: {  	_ =	shalt  }
0x75: {  	_ =	shalt  }
0x76: {  	_ =	shalt  }
0x77: {  	_ =	shalt  }
0x78: {  	_ =	shalt  }
0x79: {  	_ =	shalt  }
0x7a: {  	_ =	shalt  }
0x7b: {  	_ =	shalt  }
0x7c: {  	_ =	shalt  }
0x7d: {  	_ =	shalt  }
0x7e: {  	_ =	shalt  }
0x7f: {  	_ =	shalt  }
0x80: {  	_ =	shalt  }
0x81: {  	_ =	shalt  }
0x82: {  	_ =	shalt  }
0x83: {  	_ =	shalt  }
0x84: {  	_ =	shalt  }
0x85: {  	_ =	shalt  }
0x86: {  	_ =	shalt  }
0x87: {  	_ =	shalt  }
.Lfunc_end0:
.L_simem_size_0:
called_computation_lowered:
.L_overlay_start_0:
0x88: {  	s0 =	sld [smem:$0x3FD9]  }
0x89: {  	s1 =	sld [smem:$0x3FFE];
	_ =	sdelay $0x3  }
0x8a: {  	s0 =	sadd.s32 s1, s0  }
0x8b: {  	[smem:$0x3FC6] =	sst s0  }
0x8c: {  	_ = 	snop  }
0x8d: {  	s0 =	sld [smem:$0x3FC9]  }
0x8e: {  	s16 =	sld [smem:$0x3FC8];
	(tm) =	ssettm $0x1  }
0x8f: {  	s2 =	sld [smem:$0x3FFB];
	_ =	sdelay $0x3  }
0x90: {  	_ =	strace s2  }
0x91: {  	s2 =	sld [smem:$0x3FFC];
	_ =	sdelay $0x3  }
0x92: {  	_ =	strace s2  }
0x93: {  	s2 =	sld [smem:$0x3FFD];
	_ =	sdelay $0x3  }
0x94: {  	_ =	strace s2  }
0x95: {  	_ =	strace $0x8FFFFFFF  }
0x96: {  	s17 =	sld [smem:$0x3FDB];
	_ =	sdelay $0x1  }
0x97: {  	s3 =	simm.s32 $_scs_section_size  }
0x98: {  	s4 =	simm.s32 $_size__tile_overlayer_lowered;
	s5 =	simm.s32 $_tile_overlayer_lowered  }
0x99: {  	s20 =	simm.s32 $0x1BFF;
	s19 =	sshll.u32 s5, $0x1;
	s2 =	sadd.s32 s3, s17  }
0x9a: {  	s6 =	simm.s32 $0x0;
	s18 =	sshll.u32 s4, $0x1;
	s4 =	sadd.s32 s19, s2  }
0x9b: {  	[timem:s6], [sflag:s20] =	dma.local [hbm:s4], s18  }
0x9c: {  	_ =	swait.ge [sflag:s20], s18  }
0x9d: {  	s3 =	ssub.s32 $0x0, s18;
	[sflag:s20] =	ssyncset.done $0x0  }
0x9e: {  	[sflag:s20] =	ssyncadd.s32 s3;
	_ =	sdelay $0x1  }
0x9f: {  	s21 =	simm.s32 $0x1B8B  }
0xa0: {  	_ =	swait.ge [sflag:s21], $0x1  }
0xa1: {  	[sflag:s21] =	ssyncset.done $0x0  }
0xa2: {  	s23 =	simm.s32 $0x1B8E;
	s22 =	sld [smem:$0x3FFE];
	[sflag:s21] =	ssyncadd.s32 $0xFFFFFFFF  }
0xa3: {  	s24 =	simm.s32 $execute0_lowered;
	[smem:$0x3FD2] =	sst s23  }
0xa4: {  	s4 =	sshll.u32 s24, $0x1;
	_ =	strace $0x80000046;
	[dreg:$0x1] =	wrdreg $0xFFFFFFFF  }
0xa5: {  	s25 =	simm.s32 $_size_execute0_lowered;
	s2 =	sadd.s32 s2, s4;
	[dreg:$0x0] =	wrdreg $0x0  }
0xa6: {  	s4 =	sshll.u32 s25, $0x1;
	[dreg:$0x2] =	wrdreg s2  }
0xa7: {  	[dreg:$0x3] =	wrdreg s4  }
0xa8: {  	[dreg:$0x4] =	wrdreg $0xC0  }
0xa9: {  	_ =	task [dreg:s6], $0x5FFFF  }
0xaa: {  	[dreg:$0x1] =	wrdreg $0xFFFFFFFF  }
0xab: {  	[dreg:$0x0] =	wrdreg $0x60  }
0xac: {  	[dreg:$0x2] =	wrdreg s0  }
0xad: {  	[dreg:$0x3] =	wrdreg s16  }
0xae: {  	[dreg:$0x4] =	wrdreg s22  }
0xaf: {  	[dreg:$0x5] =	wrdreg $0x9  }
0xb0: {  	_ =	task.clear_ibuf [dreg:s6], $0x6FFFF;
	_ =	strace $0x90000046  }
0xb1: {  	s26 =	simm.s32 $0x9;
	_ =	strace $0x80000048  }
0xb2: {  	_ =	swait.ge [sflag:s26], $0x1  }
0xb3: {  	[sflag:s26] =	ssyncadd.s32 $0xFFFFFFFF  }
0xb4: {  	_ =	strace $0x90000048  }
0xb5: {  	_ =	sfence  }
0xb6: {  	s28 =	sld [smem:$0x0];
	_ =	sdelay $0x1  }
0xb7: {  	s29 =	srdreg.scid  }
0xb8: {  	s30 =	sshll.u32 s29, $0xD;
	s31 =	sshrl.u32 s29, $0x2  }
0xb9: {  	s1 =	sand.u32 $0x1, s29;
	s2 =	sand.u32 $0x4000, s30;
	s0 =	sadd.s32 s31, s28  }
0xba: {  	s1 =	sor.u32 s2, s1;
	s0 =	sshll.u32 s0, $0x11  }
0xbb: {  	s0 =	sor.u32 s0, s1  }
0xbc: {  	s0 =	sadd.s32 $0x8F2B, s0  }
0xbd: {  	[sflag:s0] =	ssyncadd.remote.s32 $0x1  }
0xbe: {  	_ =	sfence.sel $0xFFFF  }
0xbf: {  	[dreg:$0x0] =	wrdreg $0xFFFFFFFF;
	(pc) =	sbr.abs _section_cstart, $3  }
0xc0: {  	[dreg:$0x1] =	wrdreg $0xFFFFFFFF  }
0xc1: {  	_ =	task.clear_ibuf [dreg:s6], $0x2FFFF;
	_ =	strace $0x9FFFFFFF  }
0xc2: {  	(tm) =	ssettm $0x7FFFFFFF  }
0xc3: {  	_ =	shalt  }
tec
execute0_lowered:
.L_overlay_start_1:
0x0: {  	(tag) =	ssettag $0x1  }
0x1: {  	s0 =	stileid.u32  }
0x2: {  	s3 =	rddreg [dreg:$0x0];
	s1 =	sshll.u32 s0, $0x7;
	s6 =	sshll.u32 s0, $0x6  }
0x3: {  	s5 =	rddreg [dreg:$0x1];
	s7 =	sand.u32 $0x700, s1;
	s8 =	sand.u32 $0x40, s6  }
0x4: {  	s4 =	rddreg [dreg:$0x2];
	s2 =	simm.s32 $0x0;
	s7 =	sor.u32 s8, s7  }
0x5: {  	s20 =	simm.s32 $0x4;
	[smem:$0x7FF] =	sst s2;
	s7 =	sshrl.u32 s7, $0x3  }
0x6: {  	s1 =	rddreg [dreg:$0x3];
	_ =	strace $0x80000047;
	s5 =	sadd.s32 s5, s7  }
0x7: {  	[tilespmem:s2], [sflag:$0x4] =	stream.linear.gather [hbm4b:s5+s2], $0xC0, $0x38;
	[tilespmem:$0x4180] =	vst v63  }
0x8: {  	_ =	swait.ge [sflag:s20], $0xC0  }
0x9: {  	[sflag:s20] =	ssyncset.done $0x0  }
0xa: {  	v0 =	vmov s6;
	[sflag:s20] =	ssyncadd.s32 $0xFFFFFF40  }
0xb: {  	v0 =	vshrl.u32 v0, $0x9;
	v1 =	vld [tilespmem:$0x0]  }
0xc: {  	v0 =	vmul.u32 $0x140, v0  }
0xd: {  	v2 =	vld [tilespmem:$0x80]  }
0xe: {  	v0 =	vbroadcast v0, $0x0  }
0xf: {  	v3 =	vlaneseq.u32  }
0x10: {  	v3 =	vmul.u32 $0x2, v3;
	v1 =	vadd.s32 v0, v1  }
0x11: {  	v1 =	vmul.u32 $0x28, v1  }
0x12: {  	v5 =	vor.u32 $0x1, v3;
	v4 =	vshrl.u32 v2, $0x3  }
0x13: {  	v1 =	vadd.s32 v4, v1  }
0x14: {  	v2 =	vand.u32 $0x7, v2;
	v1 =	vshll.u32 v1, $0x4  }
0x15: {  	s21 =	simm.s32 $0x100;
	v1 =	vor.u32 v2, v1  }
0x16: {  	[tilespmem:v3+s21+$0x0] =	vst.idx.msk $0xffff, v1;
	v1 =	vor.u32 $0x8, v1  }
0x17: {  	[tilespmem:v5+s21+$0x0] =	vst.idx.msk $0xffff, v1  }
0x18: {  	v1 =	vld [tilespmem:$0x10];
	_ =	sdelay $0x1  }
0x19: {  	v54 =	vld [tilespmem:$0x90];
	_ =	sdelay $0x2  }
0x1a: {  	v1 =	vadd.s32 v0, v1  }
0x1b: {  	v55 =	vor.u32 $0x20, v3;
	v1 =	vmul.u32 $0x28, v1  }
0x1c: {  	v6 =	vor.u32 $0x21, v3;
	v56 =	vshrl.u32 v54, $0x3  }
0x1d: {  	v1 =	vadd.s32 v56, v1  }
0x1e: {  	v2 =	vand.u32 $0x7, v54;
	v1 =	vshll.u32 v1, $0x4  }
0x1f: {  	v1 =	vor.u32 v2, v1  }
0x20: {  	[tilespmem:v55+s21+$0x0] =	vst.idx.msk $0xffff, v1;
	v1 =	vor.u32 $0x8, v1  }
0x21: {  	[tilespmem:v6+s21+$0x0] =	vst.idx.msk $0xffff, v1  }
0x22: {  	v1 =	vld [tilespmem:$0x20];
	_ =	sdelay $0x1  }
0x23: {  	v57 =	vld [tilespmem:$0xA0];
	_ =	sdelay $0x2  }
0x24: {  	v1 =	vadd.s32 v0, v1  }
0x25: {  	v58 =	vor.u32 $0x40, v3;
	v1 =	vmul.u32 $0x28, v1  }
0x26: {  	v60 =	vor.u32 $0x41, v3;
	v59 =	vshrl.u32 v57, $0x3  }
0x27: {  	v1 =	vadd.s32 v59, v1  }
0x28: {  	v2 =	vand.u32 $0x7, v57;
	v1 =	vshll.u32 v1, $0x4  }
0x29: {  	v1 =	vor.u32 v2, v1  }
0x2a: {  	[tilespmem:v58+s21+$0x0] =	vst.idx.msk $0xffff, v1;
	v1 =	vor.u32 $0x8, v1  }
0x2b: {  	s22 =	simm.s32 $0x60;
	s23 =	simm.s32 $0x180;
	[tilespmem:v60+s21+$0x0] =	vst.idx.msk $0xffff, v1  }
0x2c: {  	[tilespmem:s23], [sflag:$0x1] =	stream.indirect.gather [hbm4b:s3+s22], $0x80, s21, s22, $0xb8;
	[tilespmem:$0x4180] =	vst v63  }
0x2d: {  	v1 =	vld [tilespmem:$0x30];
	_ =	sdelay $0x1  }
0x2e: {  	v61 =	vld [tilespmem:$0xB0];
	_ =	sdelay $0x2  }
0x2f: {  	v0 =	vadd.s32 v0, v1  }
0x30: {  	v62 =	vor.u32 $0x60, v3;
	v0 =	vmul.u32 $0x28, v0  }
0x31: {  	v3 =	vor.u32 $0x61, v3;
	v63 =	vshrl.u32 v61, $0x3  }
0x32: {  	v0 =	vadd.s32 v63, v0  }
0x33: {  	v2 =	vand.u32 $0x7, v61;
	v0 =	vshll.u32 v0, $0x4  }
0x34: {  	v0 =	vor.u32 v2, v0  }
0x35: {  	s24 =	simm.s32 $0x20;
	[tilespmem:v62+s21+$0x0] =	vst.idx.msk $0xffff, v0;
	v0 =	vor.u32 $0x8, v0  }
0x36: {  	s25 =	simm.s32 $0x160;
	s26 =	simm.s32 $0x3180;
	s28 =	simm.s32 $0x1;
	[tilespmem:v3+s21+$0x0] =	vst.idx.msk $0xffff, v0  }
0x37: {  	[tilespmem:s26], [sflag:$0x2] =	stream.indirect.gather [hbm4b:s3+s24], $0x80, s25, s24, $0xb8;
	[tilespmem:$0x4180] =	vst v63  }
0x38: {  	s29 =	sshll.u32 s0, $0xB;
	_ =	swait.ge [sflag:s28], $0x3000  }
0x39: {  	s4 =	sadd.s32 s29, s4;
	[sflag:s28] =	ssyncset.done $0x0  }
0x3a: {  	s30 =	simm.s32 $0x2;
	s5 =	sadd.s32 $0x400, s4;
	[sflag:s28] =	ssyncadd.s32 $0xFFFFD000  }
0x3b: {  	[hbm4b:s5+s2] =	stream.linear.scatter [tilespmem:s23], [sflag:$0x3], $0x3000, $0x38;
	[tilespmem:$0x4180] =	vst v63  }
0x3c: {  	_ =	swait.ge [sflag:s30], $0x1000  }
0x3d: {  	[sflag:s30] =	ssyncset.done $0x0  }
0x3e: {  	s31 =	simm.s32 $0x3;
	s4 =	sadd.s32 $0xA00, s4;
	[sflag:s30] =	ssyncadd.s32 $0xFFFFF000  }
0x3f: {  	[hbm4b:s4+s2] =	stream.linear.scatter [tilespmem:s26], [sflag:$0x3], $0x1000, $0x38;
	[tilespmem:$0x4180] =	vst v63  }
0x40: {  	_ =	swait.ge [sflag:s31], $0x3000  }
0x41: {  	[sflag:s31] =	ssyncset.done $0x0  }
0x42: {  	[sflag:s31] =	ssyncadd.s32 $0xFFFFD000  }
0x43: {  	_ =	swait.ge [sflag:s31], $0x1000  }
0x44: {  	[sflag:s31] =	ssyncset.done $0x0  }
0x45: {  	[sflag:s31] =	ssyncadd.s32 $0xFFFFF000  }
0x46: {  	_ =	sfence.sel $0x180000  }
0x47: {  	[bflag:$0x0] =	sbarrier.arrive $0xFFFF  }
0x48: {  	p0 =	sne.s32 s0, $0x0;
	_ =	strace $0x90000047  }
0x49: {  	s0 =	sadd.s32 @!p0 $0x100000, s1;
	[bflag:$0x2] =	sbarrier.arrive $0xFFFF  }
0x4a: {  	[sflag:s0] =	ssyncadd.tile.s32 @!p0 $0x1;
	_ =	shalt  }
.Lfunc_end2:
_tile_overlayer_lowered:
.L_overlay_start_2:
0x4b: {  	(tag) =	ssettag $0x2  }
0x4c: {  	s0 =	rddreg [dreg:$0x0];
	s2 =	stileid.u32  }
0x4d: {  	s1 =	rddreg [dreg:$0x1];
	p0 =	sne.s32 s2, $0x0  }
0x4e: {  	s3 =	rddreg [dreg:$0x2];
	[bflag:$0x3] =	sbarrier.arrive $0xFFFF;
	s2 =	simm.s32 @!p0 $0x1C04  }
0x4f: {  	[timem:s3], [sflag:s2] =	dma.local @!p0 [hbm:s0], s1  }
0x50: {  	s0 =	simm.s32 @!p0 $0x4  }
0x51: {  	_ =	swait.ge @!p0 [sflag:s0], s1  }
0x52: {  	s1 =	ssub.s32 @!p0 $0x0, s1;
	[sflag:s0] =	ssyncset.done @!p0 $0x0  }
0x53: {  	[sflag:s0] =	ssyncadd.s32 @!p0 s1  }
0x54: {  	[bflag:$0x3] =	sbarrier.arrive $0xFFFF  }
0x55: {  	_ =	shalt  }

</sc_bundles>
